<compile_context>
chip_gen: v7x
topology: tpu7x:2x2x1
jax: 0.10.2.dev20260603
libtpu: 0.0.44.dev20260713+nightly
codegen_flags: <defaults>
</compile_context>

<pallas_src>
import functools

import jax
import jax.numpy as jnp
from jax import lax
from jax.experimental import pallas as pl
from jax.experimental.pallas import tpu as pltpu
from jax.experimental.pallas import tpu_sc as plsc

T = 16384
D_IN = 256
K = 8192
D_C = 32

TB = 512
NB = T // TB
NWIN = 2
SW = K // NWIN


def _xsq_reference_order(sq):
    g = sq[:, 0:8]
    for v in range(1, 4):
        g = g + sq[:, v * 8:(v + 1) * 8]
    h = g[:, 0:4] + g[:, 4:8]
    h = h[:, 0:2] + h[:, 2:4]
    return h[:, 0:1] + h[:, 1:2]


def _indices_body(x_ref, win_ref, e_ref, idx_ref):
    xb = x_ref[...].astype(jnp.bfloat16)
    wb = win_ref[...].astype(jnp.bfloat16)
    proj = lax.dot_general(xb, wb, (((1,), (1,)), ((), ())),
                           preferred_element_type=jnp.float32)
    x_sq = _xsq_reference_order(proj * proj)
    e = e_ref[...]
    e_sq = jnp.sum(e * e, axis=1)
    pb = (proj.astype(jnp.bfloat16)) * jnp.bfloat16(-2.0)
    eb = e.astype(jnp.bfloat16)
    neg2cross = lax.dot_general(pb, eb, (((1,), (1,)), ((), ())),
                                preferred_element_type=jnp.float32)
    dist = (x_sq + neg2cross) + e_sq[None, :]

    bar = jnp.full((TB,), jnp.inf, jnp.float32)
    bidx = jnp.zeros((TB,), jnp.int32)
    iota = lax.broadcasted_iota(jnp.int32, (TB, SW), 1)
    for w in range(NWIN):
        dw = dist[:, w * SW:(w + 1) * SW]
        vw = jnp.min(dw, axis=-1)
        iw = jnp.min(jnp.where(dw == vw[:, None], iota + w * SW, K), axis=-1)
        take = (vw < bar) | ((vw == bar) & (iw < bidx))
        bidx = jnp.where(take, iw, bidx)
        bar = jnp.where(take, vw, bar).astype(jnp.bfloat16).astype(jnp.float32)
    idx_ref[0, 0, :] = bidx


def _decode_body(e_ref, wout_ref, d_ref):
    eb = e_ref[...].astype(jnp.bfloat16)
    wb = wout_ref[...].astype(jnp.bfloat16)
    d_ref[...] = lax.dot_general(eb, wb, (((1,), (1,)), ((), ())),
                                 preferred_element_type=jnp.float32)


def _compute_indices(x_td, W_in, embeddings_kd):
    idx = pl.pallas_call(
        _indices_body,
        grid=(NB,),
        in_specs=[
            pl.BlockSpec((TB, D_IN), lambda i: (i, 0)),
            pl.BlockSpec((D_C, D_IN), lambda i: (0, 0)),
            pl.BlockSpec((K, D_C), lambda i: (0, 0)),
        ],
        out_specs=pl.BlockSpec((1, 1, TB), lambda i: (i, 0, 0)),
        out_shape=jax.ShapeDtypeStruct((NB, 1, TB), jnp.int32),
    )(x_td, W_in, embeddings_kd)
    return idx.reshape(T)


def _decoded_codebook(embeddings_kd, W_out):
    return pl.pallas_call(
        _decode_body,
        out_shape=jax.ShapeDtypeStruct((K, D_IN), jnp.float32),
    )(embeddings_kd, W_out)


def _sc_gather(d_kd, idx_t):
    info = plsc.get_sparse_core_info()
    nc, ns = info.num_cores, info.num_subcores
    nw = nc * ns
    rows_per_w = T // nw
    chunk = 256

    mesh = plsc.VectorSubcoreMesh(core_axis_name="c", subcore_axis_name="s")

    @functools.partial(
        pl.kernel,
        mesh=mesh,
        out_type=jax.ShapeDtypeStruct((T, D_IN), jnp.float32),
        scratch_types=[
            pltpu.VMEM((rows_per_w,), jnp.int32),
            pltpu.VMEM((chunk, D_IN), jnp.float32),
            pltpu.SemaphoreType.DMA,
        ],
    )
    def gather(d_hbm, idx_hbm, out_hbm, idx_v, rows_v, sem):
        wid = lax.axis_index("s") * nc + lax.axis_index("c")
        base = wid * rows_per_w
        pltpu.sync_copy(idx_hbm.at[pl.ds(base, rows_per_w)], idx_v)
        for c in range(rows_per_w // chunk):
            pltpu.async_copy(
                d_hbm.at[idx_v.at[pl.ds(c * chunk, chunk)]], rows_v, sem
            ).wait()
            pltpu.sync_copy(rows_v, out_hbm.at[pl.ds(base + c * chunk, chunk)])

    return gather(d_kd, idx_t)


def kernel(x_td, W_in, W_out, embeddings_kd):
    idx_t = _compute_indices(x_td, W_in, embeddings_kd)
    d_kd = _decoded_codebook(embeddings_kd, W_out)
    out_td = _sc_gather(d_kd, idx_t)
    return (out_td, idx_t)

# --- scband reference (transcript-rebuilt; emitter-appended) ---
"""Pipeline reference for scband-mimi-vector-quantization-54322746359967 (READ-ONLY COPY).

The authoritative reference and input builder live on the scoring server;
editing this copy changes nothing except your own understanding.
"""

import jax, jax.numpy as jnp
import numpy as np

T = 16384
INPUT_DIM = 256
CODEBOOK_SIZE = 8192
CODEBOOK_DIM = 32


def setup_inputs(seed: int = 0) -> dict:
    key = jax.random.key(seed)
    k0, k1, k2, k3 = jax.random.split(key, 4)
    x_td = jax.random.normal(k0, (T, INPUT_DIM), dtype=jnp.float32)
    # eqx.nn.Linear(in, out, use_bias=False): weight shape (out, in), uniform init 1/sqrt(in)
    lim_in = 1.0 / np.sqrt(INPUT_DIM)
    W_in = jax.random.uniform(k1, (CODEBOOK_DIM, INPUT_DIM), minval=-lim_in, maxval=lim_in, dtype=jnp.float32)
    lim_out = 1.0 / np.sqrt(CODEBOOK_DIM)
    W_out = jax.random.uniform(k2, (INPUT_DIM, CODEBOOK_DIM), minval=-lim_out, maxval=lim_out, dtype=jnp.float32)
    embeddings_kd = jax.random.uniform(k3, (CODEBOOK_SIZE, CODEBOOK_DIM), minval=-1.0 / CODEBOOK_SIZE, maxval=1.0 / CODEBOOK_SIZE, dtype=jnp.float32)
    return {"x_td": x_td, "W_in": W_in, "W_out": W_out, "embeddings_kd": embeddings_kd}


def reference(x_td, W_in, W_out, embeddings_kd):
    # input projection (Linear, no bias): vmap(linear) == x @ W.T
    x_proj_td = x_td @ W_in.T
    # Euclidean codebook quantize
    x_sq_t = jnp.sum(x_proj_td ** 2, axis=-1, keepdims=True)
    e_sq_k = jnp.sum(embeddings_kd ** 2, axis=-1)
    cross_tk = x_proj_td @ embeddings_kd.T
    dist_tk = x_sq_t - 2 * cross_tk + e_sq_k
    indices_t = jnp.argmin(dist_tk, axis=-1)
    # decode: gather codebook rows
    quantized_td = embeddings_kd[indices_t]
    # straight-through estimator
    quantized_td = x_proj_td + jax.lax.stop_gradient(quantized_td - x_proj_td)
    # output projection
    out_td = quantized_td @ W_out.T
    return (out_td, indices_t)

if __name__ == "__main__":
    import jax
    _d = setup_inputs()
    print(jax.jit(kernel)(*tuple(_d.values())))

</pallas_src>

<mosaic_0001>
#map = affine_map<(d0, d1) -> (0, 0)>
#map1 = affine_map<(d0, d1) -> (0)>
module attributes {stable_mosaic.version = 14 : i64} {
  func.func @gather(%arg0: i32, %arg1: i32, %arg2: memref<8192x256xf32, #tpu.memory_space<hbm>>, %arg3: memref<16384xi32, #tpu.memory_space<hbm>>, %arg4: memref<16384x256xf32, #tpu.memory_space<hbm>>, %arg5: memref<512xi32, #tpu.memory_space<vmem>>, %arg6: memref<256x256xf32, #tpu.memory_space<vmem>>, %arg7: memref<!tpu.dma_semaphore, #tpu.memory_space<semaphore_mem>>) attributes {dimension_semantics = [#tpu.dimension_semantics<core_parallel>, #tpu.dimension_semantics<subcore_parallel>], iteration_bounds = array<i64: 2, 16>, scalar_prefetch = 0 : i64, scratch_operands = 3 : i64, tpu.core_type = #tpu.core_type<sc_vector_subcore>, window_params = [{transform_indices = #map}, {transform_indices = #map1}, {transform_indices = #map}]} {
    %mul3A = arith.constant 2 : i32
    %mul3A_0 = arith.muli %arg1, %mul3A : i32
    %add3A = arith.addi %mul3A_0, %arg0 : i32
    %mul3A_1 = arith.constant 512 : i32
    %mul3A_2 = arith.muli %add3A, %mul3A_1 : i32
    "tpu.region"() ({
      %run_scoped3A = tpu.sem_alloc : memref<!tpu.dma_semaphore, #tpu.memory_space<semaphore_mem>>
      %dma_start3A_25 = tpu.memref_slice %arg3[%mul3A_2] : memref<16384xi32, #tpu.memory_space<hbm>> -> memref<512xi32, #tpu.memory_space<hbm>>
      %dma_start3A_26 = tpu.memref_slice %arg3[%mul3A_2] : memref<16384xi32, #tpu.memory_space<hbm>> -> memref<512xi32, #tpu.memory_space<hbm>>
      tpu.enqueue_dma source(%dma_start3A_26 : memref<512xi32, #tpu.memory_space<hbm>>) target(%arg5 : memref<512xi32, #tpu.memory_space<vmem>>) target_semaphore(%run_scoped3A : memref<!tpu.dma_semaphore, #tpu.memory_space<semaphore_mem>>)
      %dma_wait3A_27 = tpu.memref_slice %arg3[%mul3A_2] : memref<16384xi32, #tpu.memory_space<hbm>> -> memref<512xi32, #tpu.memory_space<hbm>>
      %dma_wait3A_28 = tpu.memref_slice %arg3[%mul3A_2] : memref<16384xi32, #tpu.memory_space<hbm>> -> memref<512xi32, #tpu.memory_space<hbm>>
      tpu.wait_dma2 semaphore(%run_scoped3A : memref<!tpu.dma_semaphore, #tpu.memory_space<semaphore_mem>>) src(%dma_wait3A_28 : memref<512xi32, #tpu.memory_space<hbm>>) dst(%arg5 : memref<512xi32, #tpu.memory_space<vmem>>)
      tpu.yield
    }) : () -> ()
    %dma_start3A = arith.constant 0 : i32
    %dma_start3A_3 = tpu.memref_slice %arg5[%dma_start3A] : memref<512xi32, #tpu.memory_space<vmem>> -> memref<256xi32, #tpu.memory_space<vmem>>
    %dma_start3A_4 = arith.constant 0 : i32
    %dma_start3A_5 = arith.constant 0 : i32
    %dma_start3A_6 = tpu.memref_slice %arg2[%dma_start3A_4, %dma_start3A_5] : memref<8192x256xf32, #tpu.memory_space<hbm>> -> memref<8192x256xf32, #tpu.memory_space<hbm>>
    tpu.enqueue_indirect_dma source(%dma_start3A_6 : memref<8192x256xf32, #tpu.memory_space<hbm>>) target(%arg6 : memref<256x256xf32, #tpu.memory_space<vmem>>) offsets(%dma_start3A_3 : memref<256xi32, #tpu.memory_space<vmem>>) semaphore(%arg7 : memref<!tpu.dma_semaphore, #tpu.memory_space<semaphore_mem>>)
    %dma_wait3A = arith.constant 0 : i32
    %dma_wait3A_7 = tpu.memref_slice %arg5[%dma_wait3A] : memref<512xi32, #tpu.memory_space<vmem>> -> memref<256xi32, #tpu.memory_space<vmem>>
    %dma_wait3A_8 = arith.constant 0 : i32
    %dma_wait3A_9 = arith.constant 0 : i32
    %dma_wait3A_10 = tpu.memref_slice %arg2[%dma_wait3A_8, %dma_wait3A_9] : memref<8192x256xf32, #tpu.memory_space<hbm>> -> memref<8192x256xf32, #tpu.memory_space<hbm>>
    tpu.wait_indirect_dma semaphore(%arg7 : memref<!tpu.dma_semaphore, #tpu.memory_space<semaphore_mem>>) src(%dma_wait3A_10 : memref<8192x256xf32, #tpu.memory_space<hbm>>) dst(%arg6 : memref<256x256xf32, #tpu.memory_space<vmem>>)
    %add3A_11 = arith.constant 0 : i32
    %add3A_12 = arith.addi %mul3A_2, %add3A_11 : i32
    "tpu.region"() ({
      %run_scoped3A = tpu.sem_alloc : memref<!tpu.dma_semaphore, #tpu.memory_space<semaphore_mem>>
      %dma_start3A_25 = arith.constant 0 : i32
      %dma_start3A_26 = tpu.memref_slice %arg4[%add3A_12, %dma_start3A_25] : memref<16384x256xf32, #tpu.memory_space<hbm>> -> memref<256x256xf32, #tpu.memory_space<hbm>>
      %dma_start3A_27 = arith.constant 0 : i32
      %dma_start3A_28 = tpu.memref_slice %arg4[%add3A_12, %dma_start3A_27] : memref<16384x256xf32, #tpu.memory_space<hbm>> -> memref<256x256xf32, #tpu.memory_space<hbm>>
      tpu.enqueue_dma source(%arg6 : memref<256x256xf32, #tpu.memory_space<vmem>>) target(%dma_start3A_28 : memref<256x256xf32, #tpu.memory_space<hbm>>) target_semaphore(%run_scoped3A : memref<!tpu.dma_semaphore, #tpu.memory_space<semaphore_mem>>)
      %dma_wait3A_29 = arith.constant 0 : i32
      %dma_wait3A_30 = tpu.memref_slice %arg4[%add3A_12, %dma_wait3A_29] : memref<16384x256xf32, #tpu.memory_space<hbm>> -> memref<256x256xf32, #tpu.memory_space<hbm>>
      %dma_wait3A_31 = arith.constant 0 : i32
      %dma_wait3A_32 = tpu.memref_slice %arg4[%add3A_12, %dma_wait3A_31] : memref<16384x256xf32, #tpu.memory_space<hbm>> -> memref<256x256xf32, #tpu.memory_space<hbm>>
      tpu.wait_dma2 semaphore(%run_scoped3A : memref<!tpu.dma_semaphore, #tpu.memory_space<semaphore_mem>>) src(%arg6 : memref<256x256xf32, #tpu.memory_space<vmem>>) dst(%dma_wait3A_32 : memref<256x256xf32, #tpu.memory_space<hbm>>)
      tpu.yield
    }) : () -> ()
    %dma_start3A_13 = arith.constant 256 : i32
    %dma_start3A_14 = tpu.memref_slice %arg5[%dma_start3A_13] : memref<512xi32, #tpu.memory_space<vmem>> -> memref<256xi32, #tpu.memory_space<vmem>>
    %dma_start3A_15 = arith.constant 0 : i32
    %dma_start3A_16 = arith.constant 0 : i32
    %dma_start3A_17 = tpu.memref_slice %arg2[%dma_start3A_15, %dma_start3A_16] : memref<8192x256xf32, #tpu.memory_space<hbm>> -> memref<8192x256xf32, #tpu.memory_space<hbm>>
    tpu.enqueue_indirect_dma source(%dma_start3A_17 : memref<8192x256xf32, #tpu.memory_space<hbm>>) target(%arg6 : memref<256x256xf32, #tpu.memory_space<vmem>>) offsets(%dma_start3A_14 : memref<256xi32, #tpu.memory_space<vmem>>) semaphore(%arg7 : memref<!tpu.dma_semaphore, #tpu.memory_space<semaphore_mem>>)
    %dma_wait3A_18 = arith.constant 256 : i32
    %dma_wait3A_19 = tpu.memref_slice %arg5[%dma_wait3A_18] : memref<512xi32, #tpu.memory_space<vmem>> -> memref<256xi32, #tpu.memory_space<vmem>>
    %dma_wait3A_20 = arith.constant 0 : i32
    %dma_wait3A_21 = arith.constant 0 : i32
    %dma_wait3A_22 = tpu.memref_slice %arg2[%dma_wait3A_20, %dma_wait3A_21] : memref<8192x256xf32, #tpu.memory_space<hbm>> -> memref<8192x256xf32, #tpu.memory_space<hbm>>
    tpu.wait_indirect_dma semaphore(%arg7 : memref<!tpu.dma_semaphore, #tpu.memory_space<semaphore_mem>>) src(%dma_wait3A_22 : memref<8192x256xf32, #tpu.memory_space<hbm>>) dst(%arg6 : memref<256x256xf32, #tpu.memory_space<vmem>>)
    %add3A_23 = arith.constant 256 : i32
    %add3A_24 = arith.addi %mul3A_2, %add3A_23 : i32
    "tpu.region"() ({
      %run_scoped3A = tpu.sem_alloc : memref<!tpu.dma_semaphore, #tpu.memory_space<semaphore_mem>>
      %dma_start3A_25 = arith.constant 0 : i32
      %dma_start3A_26 = tpu.memref_slice %arg4[%add3A_24, %dma_start3A_25] : memref<16384x256xf32, #tpu.memory_space<hbm>> -> memref<256x256xf32, #tpu.memory_space<hbm>>
      %dma_start3A_27 = arith.constant 0 : i32
      %dma_start3A_28 = tpu.memref_slice %arg4[%add3A_24, %dma_start3A_27] : memref<16384x256xf32, #tpu.memory_space<hbm>> -> memref<256x256xf32, #tpu.memory_space<hbm>>
      tpu.enqueue_dma source(%arg6 : memref<256x256xf32, #tpu.memory_space<vmem>>) target(%dma_start3A_28 : memref<256x256xf32, #tpu.memory_space<hbm>>) target_semaphore(%run_scoped3A : memref<!tpu.dma_semaphore, #tpu.memory_space<semaphore_mem>>)
      %dma_wait3A_29 = arith.constant 0 : i32
      %dma_wait3A_30 = tpu.memref_slice %arg4[%add3A_24, %dma_wait3A_29] : memref<16384x256xf32, #tpu.memory_space<hbm>> -> memref<256x256xf32, #tpu.memory_space<hbm>>
      %dma_wait3A_31 = arith.constant 0 : i32
      %dma_wait3A_32 = tpu.memref_slice %arg4[%add3A_24, %dma_wait3A_31] : memref<16384x256xf32, #tpu.memory_space<hbm>> -> memref<256x256xf32, #tpu.memory_space<hbm>>
      tpu.wait_dma2 semaphore(%run_scoped3A : memref<!tpu.dma_semaphore, #tpu.memory_space<semaphore_mem>>) src(%arg6 : memref<256x256xf32, #tpu.memory_space<vmem>>) dst(%dma_wait3A_32 : memref<256x256xf32, #tpu.memory_space<hbm>>)
      tpu.yield
    }) : () -> ()
    return
  }
}

module attributes {stable_mosaic.version = 14 : i64} {
  func.func @_indices_body(%arg0: i32, %arg1: memref<512x256xf32, #tpu.memory_space<vmem>>, %arg2: memref<32x256xf32, #tpu.memory_space<vmem>>, %arg3: memref<8192x32xf32, #tpu.memory_space<vmem>>, %arg4: memref<1x1x512xi32, #tpu.memory_space<vmem>>) attributes {dimension_semantics = [#tpu.dimension_semantics<arbitrary>], iteration_bounds = array<i64: 32>, scalar_prefetch = 0 : i64, scratch_operands = 0 : i64, tpu.core_type = #tpu.core_type<tc>, window_params = [{transform_indices = @transform_0, window_bounds = array<i64: 512, 256>}, {pipeline_mode = #tpu.pipeline_mode<synchronous>, transform_indices = @transform_1, window_bounds = array<i64: 32, 256>}, {pipeline_mode = #tpu.pipeline_mode<synchronous>, transform_indices = @transform_2, window_bounds = array<i64: 8192, 32>}, {transform_indices = @transform_3, window_bounds = array<i64: 1, 1, 512>}]} {
    %get3A = arith.constant 0 : index
    %get3A_0 = arith.constant 0 : index
    %get3A_1 = vector.load %arg1[%get3A, %get3A_0] : memref<512x256xf32, #tpu.memory_space<vmem>>, vector<512x256xf32>
    %convert_element_type3A = arith.truncf %get3A_1 : vector<512x256xf32> to vector<512x256xbf16>
    %get3A_2 = arith.constant 0 : index
    %get3A_3 = arith.constant 0 : index
    %get3A_4 = vector.load %arg2[%get3A_2, %get3A_3] : memref<32x256xf32, #tpu.memory_space<vmem>>, vector<32x256xf32>
    %convert_element_type3A_5 = arith.truncf %get3A_4 : vector<32x256xf32> to vector<32x256xbf16>
    %dot_general3A = arith.constant dense<0.000000e+00> : vector<512x32xf32>
    %dot_general3A_6 = tpu.matmul %convert_element_type3A, %convert_element_type3A_5, %dot_general3A {dimension_numbers = #tpu.dot_dimension_numbers<[1], [1], [0], [0], [0, 0, 1, 0], [], []>, transpose_lhs_hint = false} : vector<512x256xbf16>, vector<32x256xbf16>, vector<512x32xf32> -> vector<512x32xf32>
    %mul3A = arith.mulf %dot_general3A_6, %dot_general3A_6 : vector<512x32xf32>
    %slice3A = vector.extract_strided_slice %mul3A {offsets = [0, 0], sizes = [512, 8], strides = [1, 1]} : vector<512x32xf32> to vector<512x8xf32>
    %slice3A_7 = vector.extract_strided_slice %mul3A {offsets = [0, 8], sizes = [512, 8], strides = [1, 1]} : vector<512x32xf32> to vector<512x8xf32>
    %add3A = arith.addf %slice3A, %slice3A_7 : vector<512x8xf32>
    %slice3A_8 = vector.extract_strided_slice %mul3A {offsets = [0, 16], sizes = [512, 8], strides = [1, 1]} : vector<512x32xf32> to vector<512x8xf32>
    %add3A_9 = arith.addf %add3A, %slice3A_8 : vector<512x8xf32>
    %slice3A_10 = vector.extract_strided_slice %mul3A {offsets = [0, 24], sizes = [512, 8], strides = [1, 1]} : vector<512x32xf32> to vector<512x8xf32>
    %add3A_11 = arith.addf %add3A_9, %slice3A_10 : vector<512x8xf32>
    %slice3A_12 = vector.extract_strided_slice %add3A_11 {offsets = [0, 0], sizes = [512, 4], strides = [1, 1]} : vector<512x8xf32> to vector<512x4xf32>
    %slice3A_13 = vector.extract_strided_slice %add3A_11 {offsets = [0, 4], sizes = [512, 4], strides = [1, 1]} : vector<512x8xf32> to vector<512x4xf32>
    %add3A_14 = arith.addf %slice3A_12, %slice3A_13 : vector<512x4xf32>
    %slice3A_15 = vector.extract_strided_slice %add3A_14 {offsets = [0, 0], sizes = [512, 2], strides = [1, 1]} : vector<512x4xf32> to vector<512x2xf32>
    %slice3A_16 = vector.extract_strided_slice %add3A_14 {offsets = [0, 2], sizes = [512, 2], strides = [1, 1]} : vector<512x4xf32> to vector<512x2xf32>
    %add3A_17 = arith.addf %slice3A_15, %slice3A_16 : vector<512x2xf32>
    %slice3A_18 = vector.extract_strided_slice %add3A_17 {offsets = [0, 0], sizes = [512, 1], strides = [1, 1]} : vector<512x2xf32> to vector<512x1xf32>
    %slice3A_19 = vector.extract_strided_slice %add3A_17 {offsets = [0, 1], sizes = [512, 1], strides = [1, 1]} : vector<512x2xf32> to vector<512x1xf32>
    %add3A_20 = arith.addf %slice3A_18, %slice3A_19 : vector<512x1xf32>
    %get3A_21 = arith.constant 0 : index
    %get3A_22 = arith.constant 0 : index
    %get3A_23 = vector.load %arg3[%get3A_21, %get3A_22] : memref<8192x32xf32, #tpu.memory_space<vmem>>, vector<8192x32xf32>
    %mul3A_24 = arith.mulf %get3A_23, %get3A_23 : vector<8192x32xf32>
    %reduce_sum3A = arith.constant dense<0.000000e+00> : vector<8192xf32>
    %reduce_sum3A_25 = vector.multi_reduction <add>, %mul3A_24, %reduce_sum3A [1] : vector<8192x32xf32> to vector<8192xf32>
    %convert_element_type3A_26 = arith.truncf %dot_general3A_6 : vector<512x32xf32> to vector<512x32xbf16>
    %mul3A_27 = arith.constant -2.000000e+00 : bf16
    %mul3A_28 = vector.broadcast %mul3A_27 : bf16 to vector<512x32xbf16>
    %mul3A_29 = arith.mulf %convert_element_type3A_26, %mul3A_28 : vector<512x32xbf16>
    %convert_element_type3A_30 = arith.truncf %get3A_23 : vector<8192x32xf32> to vector<8192x32xbf16>
    %dot_general3A_31 = arith.constant dense<0.000000e+00> : vector<512x8192xf32>
    %dot_general3A_32 = tpu.matmul %mul3A_29, %convert_element_type3A_30, %dot_general3A_31 {dimension_numbers = #tpu.dot_dimension_numbers<[1], [1], [0], [0], [0, 0, 1, 0], [], []>, transpose_lhs_hint = false} : vector<512x32xbf16>, vector<8192x32xbf16>, vector<512x8192xf32> -> vector<512x8192xf32>
    %add3A_33 = vector.broadcast %add3A_20 : vector<512x1xf32> to vector<512x8192xf32>
    %add3A_34 = arith.addf %add3A_33, %dot_general3A_32 : vector<512x8192xf32>
    %broadcast_in_dim3A = vector.shape_cast %reduce_sum3A_25 : vector<8192xf32> to vector<1x8192xf32>
    %add3A_35 = vector.broadcast %broadcast_in_dim3A : vector<1x8192xf32> to vector<512x8192xf32>
    %add3A_36 = arith.addf %add3A_34, %add3A_35 : vector<512x8192xf32>
    %broadcast_in_dim3A_37 = arith.constant 0x7F800000 : f32
    %broadcast_in_dim3A_38 = vector.broadcast %broadcast_in_dim3A_37 : f32 to vector<512xf32>
    %broadcast_in_dim3A_39 = arith.constant 0 : i32
    %broadcast_in_dim3A_40 = vector.broadcast %broadcast_in_dim3A_39 : i32 to vector<512xi32>
    %iota3A = tpu.iota {dimensions = array<i32: 1>} : vector<512x4096xi32>
    %slice3A_41 = vector.extract_strided_slice %add3A_36 {offsets = [0, 0], sizes = [512, 4096], strides = [1, 1]} : vector<512x8192xf32> to vector<512x4096xf32>
    %reduce_min3A = arith.constant dense<0x7F800000> : vector<512xf32>
    %reduce_min3A_42 = vector.multi_reduction <minimumf>, %slice3A_41, %reduce_min3A [1] : vector<512x4096xf32> to vector<512xf32>
    %broadcast_in_dim3A_43 = vector.shape_cast %reduce_min3A_42 : vector<512xf32> to vector<512x1xf32>
    %eq3A = vector.broadcast %broadcast_in_dim3A_43 : vector<512x1xf32> to vector<512x4096xf32>
    %eq3A_44 = arith.cmpf oeq, %slice3A_41, %eq3A : vector<512x4096xf32>
    %add3A_45 = arith.constant 0 : i32
    %add3A_46 = vector.broadcast %add3A_45 : i32 to vector<512x4096xi32>
    %add3A_47 = arith.addi %iota3A, %add3A_46 : vector<512x4096xi32>
    %jit3A = arith.constant 8192 : i32
    %broadcast_in_dim3A_48 = vector.broadcast %jit3A : i32 to vector<512x4096xi32>
    %select_n3A = arith.select %eq3A_44, %add3A_47, %broadcast_in_dim3A_48 : vector<512x4096xi1>, vector<512x4096xi32>
    %reduce_min3A_49 = arith.constant dense<2147483647> : vector<512xi32>
    %reduce_min3A_50 = vector.multi_reduction <minsi>, %select_n3A, %reduce_min3A_49 [1] : vector<512x4096xi32> to vector<512xi32>
    %lt3A = arith.cmpf olt, %reduce_min3A_42, %broadcast_in_dim3A_38 : vector<512xf32>
    %eq3A_51 = arith.cmpf oeq, %reduce_min3A_42, %broadcast_in_dim3A_38 : vector<512xf32>
    %lt3A_52 = arith.cmpi slt, %reduce_min3A_50, %broadcast_in_dim3A_40 : vector<512xi32>
    %and3A = arith.andi %eq3A_51, %lt3A_52 : vector<512xi1>
    %or3A = arith.ori %lt3A, %and3A : vector<512xi1>
    %select_n3A_53 = arith.select %or3A, %reduce_min3A_50, %broadcast_in_dim3A_40 : vector<512xi1>, vector<512xi32>
    %select_n3A_54 = arith.select %or3A, %reduce_min3A_42, %broadcast_in_dim3A_38 : vector<512xi1>, vector<512xf32>
    %convert_element_type3A_55 = arith.truncf %select_n3A_54 : vector<512xf32> to vector<512xbf16>
    %convert_element_type3A_56 = arith.extf %convert_element_type3A_55 : vector<512xbf16> to vector<512xf32>
    %slice3A_57 = vector.extract_strided_slice %add3A_36 {offsets = [0, 4096], sizes = [512, 4096], strides = [1, 1]} : vector<512x8192xf32> to vector<512x4096xf32>
    %reduce_min3A_58 = arith.constant dense<0x7F800000> : vector<512xf32>
    %reduce_min3A_59 = vector.multi_reduction <minimumf>, %slice3A_57, %reduce_min3A_58 [1] : vector<512x4096xf32> to vector<512xf32>
    %broadcast_in_dim3A_60 = vector.shape_cast %reduce_min3A_59 : vector<512xf32> to vector<512x1xf32>
    %eq3A_61 = vector.broadcast %broadcast_in_dim3A_60 : vector<512x1xf32> to vector<512x4096xf32>
    %eq3A_62 = arith.cmpf oeq, %slice3A_57, %eq3A_61 : vector<512x4096xf32>
    %add3A_63 = arith.constant 4096 : i32
    %add3A_64 = vector.broadcast %add3A_63 : i32 to vector<512x4096xi32>
    %add3A_65 = arith.addi %iota3A, %add3A_64 : vector<512x4096xi32>
    %jit3A_66 = arith.constant 8192 : i32
    %broadcast_in_dim3A_67 = vector.broadcast %jit3A_66 : i32 to vector<512x4096xi32>
    %select_n3A_68 = arith.select %eq3A_62, %add3A_65, %broadcast_in_dim3A_67 : vector<512x4096xi1>, vector<512x4096xi32>
    %reduce_min3A_69 = arith.constant dense<2147483647> : vector<512xi32>
    %reduce_min3A_70 = vector.multi_reduction <minsi>, %select_n3A_68, %reduce_min3A_69 [1] : vector<512x4096xi32> to vector<512xi32>
    %lt3A_71 = arith.cmpf olt, %reduce_min3A_59, %convert_element_type3A_56 : vector<512xf32>
    %eq3A_72 = arith.cmpf oeq, %reduce_min3A_59, %convert_element_type3A_56 : vector<512xf32>
    %lt3A_73 = arith.cmpi slt, %reduce_min3A_70, %select_n3A_53 : vector<512xi32>
    %and3A_74 = arith.andi %eq3A_72, %lt3A_73 : vector<512xi1>
    %or3A_75 = arith.ori %lt3A_71, %and3A_74 : vector<512xi1>
    %select_n3A_76 = arith.select %or3A_75, %reduce_min3A_70, %select_n3A_53 : vector<512xi1>, vector<512xi32>
    %swap3A = arith.constant 0 : index
    %swap3A_77 = arith.constant 0 : index
    %swap3A_78 = arith.constant 0 : index
    %swap3A_79 = vector.load %arg4[%swap3A, %swap3A_77, %swap3A_78] : memref<1x1x512xi32, #tpu.memory_space<vmem>>, vector<1x1x512xi32>
    %swap3A_80 = vector.shape_cast %swap3A_79 : vector<1x1x512xi32> to vector<512xi32>
    %swap3A_81 = vector.shape_cast %select_n3A_76 : vector<512xi32> to vector<1x1x512xi32>
    tpu.vector_store %arg4[%swap3A, %swap3A_77, %swap3A_78], %swap3A_81 {strides = array<i32>} : memref<1x1x512xi32, #tpu.memory_space<vmem>>, vector<1x1x512xi32>,
    return
  }
  func.func @transform_0(%arg0: i32) -> (i32, i32) {
    %c0_i32 = arith.constant 0 : i32
    %c0_i32_0 = arith.constant 0 : i32
    return %arg0, %c0_i32 : i32, i32
  }
  func.func @transform_1(%arg0: i32) -> (i32, i32) {
    %c0_i32 = arith.constant 0 : i32
    %c0_i32_0 = arith.constant 0 : i32
    %c0_i32_1 = arith.constant 0 : i32
    return %c0_i32, %c0_i32_0 : i32, i32
  }
  func.func @transform_2(%arg0: i32) -> (i32, i32) {
    %c0_i32 = arith.constant 0 : i32
    %c0_i32_0 = arith.constant 0 : i32
    %c0_i32_1 = arith.constant 0 : i32
    return %c0_i32, %c0_i32_0 : i32, i32
  }
  func.func @transform_3(%arg0: i32) -> (i32, i32, i32) {
    %c0_i32 = arith.constant 0 : i32
    %c0_i32_0 = arith.constant 0 : i32
    %c0_i32_1 = arith.constant 0 : i32
    return %arg0, %c0_i32, %c0_i32_0 : i32, i32, i32
  }
}

module attributes {stable_mosaic.version = 14 : i64} {
  func.func @_decode_body(%arg0: memref<8192x32xf32, #tpu.memory_space<vmem>>, %arg1: memref<256x32xf32, #tpu.memory_space<vmem>>, %arg2: memref<8192x256xf32, #tpu.memory_space<vmem>>) attributes {dimension_semantics = [], scalar_prefetch = 0 : i64, scratch_operands = 0 : i64, tpu.core_type = #tpu.core_type<tc>} {
    %get3A = arith.constant 0 : index
    %get3A_0 = arith.constant 0 : index
    %get3A_1 = vector.load %arg0[%get3A, %get3A_0] : memref<8192x32xf32, #tpu.memory_space<vmem>>, vector<8192x32xf32>
    %convert_element_type3A = arith.truncf %get3A_1 : vector<8192x32xf32> to vector<8192x32xbf16>
    %get3A_2 = arith.constant 0 : index
    %get3A_3 = arith.constant 0 : index
    %get3A_4 = vector.load %arg1[%get3A_2, %get3A_3] : memref<256x32xf32, #tpu.memory_space<vmem>>, vector<256x32xf32>
    %convert_element_type3A_5 = arith.truncf %get3A_4 : vector<256x32xf32> to vector<256x32xbf16>
    %dot_general3A = arith.constant dense<0.000000e+00> : vector<8192x256xf32>
    %dot_general3A_6 = tpu.matmul %convert_element_type3A, %convert_element_type3A_5, %dot_general3A {dimension_numbers = #tpu.dot_dimension_numbers<[1], [1], [0], [0], [0, 0, 1, 0], [], []>, transpose_lhs_hint = false} : vector<8192x32xbf16>, vector<256x32xbf16>, vector<8192x256xf32> -> vector<8192x256xf32>
    %swap3A = arith.constant 0 : index
    %swap3A_7 = arith.constant 0 : index
    %swap3A_8 = vector.load %arg2[%swap3A, %swap3A_7] : memref<8192x256xf32, #tpu.memory_space<vmem>>, vector<8192x256xf32>
    tpu.vector_store %arg2[%swap3A, %swap3A_7], %dot_general3A_6 {strides = array<i32>} : memref<8192x256xf32, #tpu.memory_space<vmem>>, vector<8192x256xf32>,
    return
  }
}

</mosaic_0001>

<sc_bundles>
// kernel: kernel.5.cloned.1.call-start
scs
__scs_entry_jumppad:
0x0: {  	(pc) =	sbr.rel $0x88, $3  }
0x1: {  	(tag) =	ssettag $0x0;
	lr =	simm.s32 $0x1  }
0x2: {  	[smem:$0x3F9D] =	sst lr;
	_ =	strace $0xD0000000  }
0x3: {  	_ = 	snop  }
0x4: {  	_ = 	snop  }
0x5: {  	_ = 	snop  }
0x6: {  	_ = 	snop  }
0x7: {  	_ = 	snop  }
__scs_overlays_trampoline_lowered:
0x8: {  	[smem:$0x3FAC] =	sst s0  }
0x9: {  	[smem:$0x3FAD] =	sst s1  }
0xa: {  	[smem:$0x3FAE] =	sst s2  }
0xb: {  	[smem:$0x3FAF] =	sst s3  }
0xc: {  	[smem:$0x3FB0] =	sst s4  }
0xd: {  	[smem:$0x3FB1] =	sst s5  }
0xe: {  	[smem:$0x3FB2] =	sst s6  }
0xf: {  	[smem:$0x3FB3] =	sst s7  }
0x10: {  	[smem:$0x3FB4] =	sst s8  }
0x11: {  	[smem:$0x3FB5] =	sst s9;
	s0 =	simm.s32 @!p0 $0x0  }
0x12: {  	s1 =	sld [smem:$0x3F9B];
	s0 =	simm.s32 @p0 $0x1  }
0x13: {  	[smem:$0x3FB6] =	sst s0;
	s0 =	simm.s32 @!p1 $0x0  }
0x14: {  	s2 =	sld [smem:$0x3F9A];
	s0 =	simm.s32 @p1 $0x1  }
0x15: {  	[smem:$0x3FB7] =	sst s0;
	s0 =	simm.s32 @!p2 $0x0  }
0x16: {  	s3 =	sld [smem:$0x3FDB];
	s0 =	simm.s32 @p2 $0x1  }
0x17: {  	s4 =	simm.s32 $0x1BF5;
	[smem:$0x3FB9] =	sst s0  }
0x18: {  	s0 =	sld [smem:$0x3F9C];
	_ =	swait.ge [sflag:s4], $0x0  }
0x19: {  	s7 =	sld [smem:$0x3F9D]  }
0x1a: {  	s8 =	sadd.s32 $0xFFFFE003, lr  }
0x1b: {  	s9 =	sadd.s32 $0xFFFFFEF7, lr;
	s5 =	simm.s32 $0xFFFFFFFF;
	p2 =	slt.u32 s8, $0xFFFFF086  }
0x1c: {  	p1 =	slt.u32 s9, $0xF7A;
	s5 =	simm.s32 @!p2 $0x0  }
0x1d: {  	s5 =	simm.s32 @p1 $0x1;
	p0 =	seq.s32 s7, s2  }
0x1e: {  	s7 =	smul.u32 @!p0 $0xF7A, s2;
	p2 =	seq.s32 @!p0 s5, $0x0  }
0x1f: {  	s9 =	smul.u32 $0xF7A, s1;
	s8 =	simm.s32 @!p0 $0x1BF5;
	p2 =	por !p2, p0  }
0x20: {  	[sflag:s8] =	ssyncset.s32 @!p0 $0xFFFFF086;
	s6 =	sadd.s32 @!p0 s3, s7;
	s7 =	simm.s32 @!p0 $0x108  }
0x21: {  	s3 =	sadd.s32 s3, s9;
	s6 =	sadd.s32 @!p0 $0x88, s6;
	s7 =	simm.s32 @p2 $0x1082  }
0x22: {  	[simem:s7], [sflag:s8] =	dma.local @!p0 [hbm:s6], $0xF7A  }
0x23: {  	s9 =	sor.u32 $0xD0000000, s2;
	s6 =	simm.s32 $0x108;
	_ =	swait.ge @!p0 [sflag:s8], $0x0  }
0x24: {  	s3 =	sadd.s32 $0x88, s3;
	s6 =	simm.s32 @!p1 $0x1082;
	[sflag:s4] =	ssyncset.s32 $0xFFFFF086  }
0x25: {  	[simem:s6], [sflag:s4] =	dma.local [hbm:s3], $0xF7A  }
0x26: {  	[smem:$0x3F9D] =	sst s1;
	(tag) =	ssettag s2;
	_ =	strace s9  }
0x27: {  	s1 =	sld [smem:$0x3FAD]  }
0x28: {  	s2 =	sld [smem:$0x3FAE]  }
0x29: {  	s4 =	sld [smem:$0x3FB0]  }
0x2a: {  	p0 =	seq.s32 s5, $0x0;
	s5 =	sld [smem:$0x3FB1]  }
0x2b: {  	s6 =	sld [smem:$0x3FB2]  }
0x2c: {  	s7 =	sld [smem:$0x3FB3]  }
0x2d: {  	s3 =	simm.s32 $0x108;
	s8 =	sld [smem:$0x3FB4]  }
0x2e: {  	s3 =	simm.s32 @!p0 $0x1082;
	s9 =	sld [smem:$0x3FB5]  }
0x2f: {  	lr =	sadd.s32 s0, s3;
	s0 =	sld [smem:$0x3FAC]  }
0x30: {  	s3 =	sld [smem:$0x3FAF]  }
0x31: {  	[smem:$0x3FB8] =	sst s10  }
0x32: {  	s10 =	sld [smem:$0x3FB6];
	_ =	sdelay $0x3  }
0x33: {  	p0 =	seq.s32 s10, $0x1;
	s10 =	sld [smem:$0x3FB8];
	_ =	sdelay $0x3  }
0x34: {  	[smem:$0x3FB8] =	sst s10  }
0x35: {  	s10 =	sld [smem:$0x3FB7];
	_ =	sdelay $0x3  }
0x36: {  	p1 =	seq.s32 s10, $0x1;
	s10 =	sld [smem:$0x3FB8];
	_ =	sdelay $0x3  }
0x37: {  	[smem:$0x3FB8] =	sst s10  }
0x38: {  	s10 =	sld [smem:$0x3FB9]  }
0x39: {  	_ = 	snop;
	(pc) =	sbr.ind lr, $3  }
0x3a: {  	_ = 	snop  }
0x3b: {  	_ = 	snop  }
0x3c: {  	p2 =	seq.s32 s10, $0x1;
	s10 =	sld [smem:$0x3FB8]  }
0x3d: {  	_ =	shalt  }
0x3e: {  	_ =	shalt  }
0x3f: {  	_ =	shalt  }
0x40: {  	_ =	shalt  }
0x41: {  	_ =	shalt  }
0x42: {  	_ =	shalt  }
0x43: {  	_ =	shalt  }
0x44: {  	_ =	shalt  }
0x45: {  	_ =	shalt  }
0x46: {  	_ =	shalt  }
0x47: {  	_ =	shalt  }
0x48: {  	_ =	shalt  }
0x49: {  	_ =	shalt  }
0x4a: {  	_ =	shalt  }
0x4b: {  	_ =	shalt  }
0x4c: {  	_ =	shalt  }
0x4d: {  	_ =	shalt  }
0x4e: {  	_ =	shalt  }
0x4f: {  	_ =	shalt  }
0x50: {  	_ =	shalt  }
0x51: {  	_ =	shalt  }
0x52: {  	_ =	shalt  }
0x53: {  	_ =	shalt  }
0x54: {  	_ =	shalt  }
0x55: {  	_ =	shalt  }
0x56: {  	_ =	shalt  }
0x57: {  	_ =	shalt  }
0x58: {  	_ =	shalt  }
0x59: {  	_ =	shalt  }
0x5a: {  	_ =	shalt  }
0x5b: {  	_ =	shalt  }
0x5c: {  	_ =	shalt  }
0x5d: {  	_ =	shalt  }
0x5e: {  	_ =	shalt  }
0x5f: {  	_ =	shalt  }
0x60: {  	_ =	shalt  }
0x61: {  	_ =	shalt  }
0x62: {  	_ =	shalt  }
0x63: {  	_ =	shalt  }
0x64: {  	_ =	shalt  }
0x65: {  	_ =	shalt  }
0x66: {  	_ =	shalt  }
0x67: {  	_ =	shalt  }
0x68: {  	_ =	shalt  }
0x69: {  	_ =	shalt  }
0x6a: {  	_ =	shalt  }
0x6b: {  	_ =	shalt  }
0x6c: {  	_ =	shalt  }
0x6d: {  	_ =	shalt  }
0x6e: {  	_ =	shalt  }
0x6f: {  	_ =	shalt  }
0x70: {  	_ =	shalt  }
0x71: {  	_ =	shalt  }
0x72: {  	_ =	shalt  }
0x73: {  	_ =	shalt  }
0x74: {  	_ =	shalt  }
0x75: {  	_ =	shalt  }
0x76: {  	_ =	shalt  }
0x77: {  	_ =	shalt  }
0x78: {  	_ =	shalt  }
0x79: {  	_ =	shalt  }
0x7a: {  	_ =	shalt  }
0x7b: {  	_ =	shalt  }
0x7c: {  	_ =	shalt  }
0x7d: {  	_ =	shalt  }
0x7e: {  	_ =	shalt  }
0x7f: {  	_ =	shalt  }
0x80: {  	_ =	shalt  }
0x81: {  	_ =	shalt  }
0x82: {  	_ =	shalt  }
0x83: {  	_ =	shalt  }
0x84: {  	_ =	shalt  }
0x85: {  	_ =	shalt  }
0x86: {  	_ =	shalt  }
0x87: {  	_ =	shalt  }
.Lfunc_end0:
.L_simem_size_0:
called_computation_lowered:
.L_overlay_start_0:
0x88: {  	s2 =	sld [smem:$0x3FD9]  }
0x89: {  	s3 =	sld [smem:$0x3FFE];
	_ =	sdelay $0x1  }
0x8a: {  	s1 =	srdreg.scid  }
0x8b: {  	s0 =	sand.u32 $0x1, s1  }
0x8c: {  	s14 =	sshll.u32 s0, $0xA;
	s2 =	sadd.s32 s3, s2  }
0x8d: {  	s2 =	sadd.s32 s2, s14  }
0x8e: {  	[smem:$0x3FC4] =	sst s2  }
0x8f: {  	_ = 	snop  }
0x90: {  	s2 =	sld [smem:$0x3FD0];
	_ =	sdelay $0x2  }
0x91: {  	s15 =	simm.s32 $0xA;
	s4 =	simm.s32 $0x10  }
0x92: {  	[smem:s4], [sflag:s15] =	dma.local [hbm:s2], $0x1  }
0x93: {  	_ =	swait.eq [sflag:s15], $0x1  }
0x94: {  	[sflag:s15] =	ssyncset.done $0x0  }
0x95: {  	s16 =	sld [smem:$0x10];
	[sflag:s15] =	ssyncadd.s32 $0xFFFFFFFF  }
0x96: {  	s17 =	sld [smem:$0x11];
	(tm) =	ssettm $0x1  }
0x97: {  	s18 =	sld [smem:$0x3FFB];
	_ =	sdelay $0x3  }
0x98: {  	_ =	strace s18  }
0x99: {  	s4 =	sld [smem:$0x3FFC];
	_ =	sdelay $0x3  }
0x9a: {  	_ =	strace s4  }
0x9b: {  	s4 =	sld [smem:$0x3FFD];
	_ =	sdelay $0x3  }
0x9c: {  	_ =	strace s4  }
0x9d: {  	_ =	strace $0x8FFFFFFF  }
0x9e: {  	s19 =	sld [smem:$0x3FDB];
	_ =	sdelay $0x1  }
0x9f: {  	s5 =	simm.s32 $_scs_section_size  }
0xa0: {  	s6 =	simm.s32 $_size__tile_overlayer_lowered;
	s7 =	simm.s32 $_tile_overlayer_lowered  }
0xa1: {  	s22 =	simm.s32 $0x1BFF;
	s21 =	sshll.u32 s7, $0x1;
	s4 =	sadd.s32 s5, s19  }
0xa2: {  	s8 =	simm.s32 $0x0;
	s20 =	sshll.u32 s6, $0x1;
	s6 =	sadd.s32 s21, s4  }
0xa3: {  	[timem:s8], [sflag:s22] =	dma.local [hbm:s6], s20  }
0xa4: {  	_ =	swait.ge [sflag:s22], s20  }
0xa5: {  	s5 =	ssub.s32 $0x0, s20;
	[sflag:s22] =	ssyncset.done $0x0  }
0xa6: {  	[sflag:s22] =	ssyncadd.s32 s5;
	_ =	sdelay $0x1  }
0xa7: {  	s23 =	simm.s32 $0x1B8B  }
0xa8: {  	_ =	swait.ge [sflag:s23], $0x1  }
0xa9: {  	[sflag:s23] =	ssyncset.done $0x0  }
0xaa: {  	s25 =	simm.s32 $0x1B8E;
	s24 =	sld [smem:$0x3FFE];
	[sflag:s23] =	ssyncadd.s32 $0xFFFFFFFF  }
0xab: {  	s26 =	simm.s32 $execute0_lowered;
	[smem:$0x3FD2] =	sst s25  }
0xac: {  	s6 =	sshll.u32 s26, $0x1;
	_ =	strace $0x80000046;
	[dreg:$0x1] =	wrdreg $0xFFFFFFFF  }
0xad: {  	s28 =	simm.s32 $_size_execute0_lowered;
	s4 =	sadd.s32 s4, s6;
	[dreg:$0x0] =	wrdreg $0x0  }
0xae: {  	s6 =	sshll.u32 s28, $0x1;
	[dreg:$0x2] =	wrdreg s4  }
0xaf: {  	[dreg:$0x3] =	wrdreg s6  }
0xb0: {  	[dreg:$0x4] =	wrdreg $0xC0  }
0xb1: {  	_ =	task [dreg:s8], $0x5FFFF  }
0xb2: {  	[dreg:$0x1] =	wrdreg $0xFFFFFFFF  }
0xb3: {  	[dreg:$0x0] =	wrdreg $0x60  }
0xb4: {  	[dreg:$0x2] =	wrdreg s24  }
0xb5: {  	[dreg:$0x3] =	wrdreg s17  }
0xb6: {  	[dreg:$0x4] =	wrdreg s16  }
0xb7: {  	[dreg:$0x5] =	wrdreg $0x9  }
0xb8: {  	_ =	task.clear_ibuf [dreg:s8], $0x6FFFF;
	_ =	strace $0x90000046  }
0xb9: {  	s29 =	simm.s32 $0x9;
	_ =	strace $0x80000048  }
0xba: {  	_ =	swait.ge [sflag:s29], $0x1  }
0xbb: {  	[sflag:s29] =	ssyncadd.s32 $0xFFFFFFFF  }
0xbc: {  	_ =	strace $0x90000048  }
0xbd: {  	_ =	sfence  }
0xbe: {  	s30 =	sld [smem:$0x0];
	_ =	sdelay $0x2  }
0xbf: {  	s31 =	sshll.u32 s1, $0xD;
	s1 =	sshrl.u32 s1, $0x2  }
0xc0: {  	s3 =	sand.u32 $0x4000, s31;
	s1 =	sadd.s32 s1, s30  }
0xc1: {  	s0 =	sor.u32 s3, s0;
	s1 =	sshll.u32 s1, $0x11  }
0xc2: {  	s0 =	sor.u32 s1, s0  }
0xc3: {  	s0 =	sadd.s32 $0x8F2B, s0  }
0xc4: {  	[sflag:s0] =	ssyncadd.remote.s32 $0x1  }
0xc5: {  	_ =	sfence.sel $0xFFFF  }
0xc6: {  	[dreg:$0x0] =	wrdreg $0xFFFFFFFF;
	(pc) =	sbr.abs _section_cstart, $3  }
0xc7: {  	[dreg:$0x1] =	wrdreg $0xFFFFFFFF  }
0xc8: {  	_ =	task.clear_ibuf [dreg:s8], $0x2FFFF;
	_ =	strace $0x9FFFFFFF  }
0xc9: {  	(tm) =	ssettm $0x7FFFFFFF  }
tec
execute0_lowered:
.L_overlay_start_1:
0x0: {  	(tag) =	ssettag $0x1  }
0x1: {  	s0 =	rddreg [dreg:$0x0]  }
0x2: {  	s1 =	rddreg [dreg:$0x1]  }
0x3: {  	s4 =	rddreg [dreg:$0x2];
	s3 =	srdreg.scid;
	s2 =	simm.s32 $0x0  }
0x4: {  	s6 =	stileid.u32;
	s14 =	simm.s32 $0x1;
	s16 =	simm.s32 $0x1200  }
0x5: {  	s17 =	simm.s32 $0x1A00;
	s18 =	simm.s32 $0x2200;
	s19 =	simm.s32 $0x2A00  }
0x6: {  	s21 =	simm.s32 $0x3A00;
	s22 =	simm.s32 $0x4200;
	s28 =	simm.s32 $0x6A00  }
0x7: {  	s29 =	simm.s32 $0x7200;
	s30 =	simm.s32 $0x7A00;
	s31 =	simm.s32 $0x8200  }
0x8: {  	s8 =	simm.s32 $0x9A00;
	s9 =	simm.s32 $0xA200;
	s10 =	simm.s32 $0xAA00  }
0x9: {  	s11 =	simm.s32 $0xB200;
	s12 =	simm.s32 $0xBA00;
	s13 =	simm.s32 $0xC200  }
0xa: {  	s5 =	sand.u32 $0x1, s3;
	[smem:$0x7FF] =	sst s2;
	s6 =	sshll.u32 s6, $0xA  }
0xb: {  	s3 =	sadd.s32 $0xA00, s0;
	s7 =	sshll.u32 s5, $0x9;
	s5 =	ssub.s32 $0x2, s5  }
0xc: {  	_ =	strace $0x80000047;
	s23 =	sor.u32 s7, s6;
	s24 =	sshrl.u32 s5, $0x1  }
0xd: {  	s7 =	simm.s32 $0xCA00;
	s6 =	sshrl.u32 s23, $0x3;
	s0 =	sshll.u32 s23, $0x5  }
0xe: {  	s25 =	ssub.s32 s5, s24;
	s23 =	simm.s32 $0x4A00;
	s24 =	simm.s32 $0x5200  }
0xf: {  	s1 =	sadd.s32 s1, s6;
	s4 =	sadd.s32 s4, s0;
	s5 =	smax.u32 s25, $0x1  }
0x10: {  	v2 =	vlaneseq.u32;
	s6 =	simm.s32 $0x2;
	s25 =	simm.s32 $0x5A00;
	[dreg:$0x4] =	wrdreg s1  }
0x11: {  	vm0 =	vmmov $0xffff;
	v1 =	vshrl.u32 v2, $0x3;
	[dreg:$0x6] =	wrdreg s4;
	s26 =	sadd.s32 $0x2000, s4;
	s4 =	simm.s32 $0x3200  }
0x12: {  	v0 =	vand.u32 $0x7, v2;
	v2 =	vor.u32 $0x8, v2;
	v1 =	vmul.u32 $0x8, v1;
	s1 =	simm.s32 $0x9200;
	[dreg:$0x5] =	wrdreg s26;
	s26 =	simm.s32 $0x6200  }
.LBB2_1:
0x13: {  	s15 =	rddreg [dreg:$0x4]  }
0x14: {  	[tilespmem:s2], [sflag:$0x2] =	stream.linear.gather [hbm4b:s15+s2], $0x200, $0x38;
	[tilespmem:$0x10200] =	vst v63  }
0x15: {  	_ =	swait.ge [sflag:s6], $0x200  }
0x16: {  	[sflag:s6] =	ssyncset.done $0x0  }
0x17: {  	[sflag:s6] =	ssyncadd.s32 $0xFFFFFE00  }
0x18: {  	v3 =	vld [tilespmem:$0x0];
	_ =	sdelay $0x4  }
0x19: {  	v4 =	vshll.u32 v3, $0x1  }
0x1a: {  	v3 =	vand.u32 $0x7, v3;
	v4 =	vand.u32 $0xFFFFFFF0, v4  }
0x1b: {  	v3 =	vor.u32 v3, v4  }
0x1c: {  	v4 =	vperm.xlane v3, v0;
	_ =	sdelay $0x1  }
0x1d: {  	v3 =	vperm.xlane v3, v2;
	v4 =	vadd.s32 v1, v4;
	_ =	sdelay $0x1  }
0x1e: {  	v3 =	vadd.s32 v1, v3;
	_ =	sdelay $0x1  }
0x1f: {  	s0 =	simm.s32 $0x200  }
0x20: {  	[tilespmem:s0], [sflag:$0x1] =	stream.indirect_vreg.gather [hbm4b:s3+s2], $0x80, v4, vm0, $0xb8;
	[tilespmem:$0x10200] =	vst v63  }
0x21: {  	s15 =	simm.s32 $0xA00  }
0x22: {  	[tilespmem:s15], [sflag:$0x1] =	stream.indirect_vreg.gather [hbm4b:s3+s2], $0x80, v3, vm0, $0xb8;
	[tilespmem:$0x10200] =	vst v63  }
0x23: {  	v3 =	vld [tilespmem:$0x10];
	_ =	sdelay $0x4  }
0x24: {  	v33 =	vshll.u32 v3, $0x1  }
0x25: {  	v3 =	vand.u32 $0x7, v3;
	v4 =	vand.u32 $0xFFFFFFF0, v33  }
0x26: {  	v3 =	vor.u32 v3, v4  }
0x27: {  	v4 =	vperm.xlane v3, v0;
	_ =	sdelay $0x1  }
0x28: {  	v3 =	vperm.xlane v3, v2;
	v4 =	vadd.s32 v1, v4;
	_ =	sdelay $0x1  }
0x29: {  	v3 =	vadd.s32 v1, v3;
	_ =	sdelay $0x2  }
0x2a: {  	[tilespmem:s16], [sflag:$0x1] =	stream.indirect_vreg.gather [hbm4b:s3+s2], $0x80, v4, vm0, $0xb8;
	[tilespmem:$0x10200] =	vst v63  }
0x2b: {  	_ = 	snop  }
0x2c: {  	[tilespmem:s17], [sflag:$0x1] =	stream.indirect_vreg.gather [hbm4b:s3+s2], $0x80, v3, vm0, $0xb8;
	[tilespmem:$0x10200] =	vst v63  }
0x2d: {  	v3 =	vld [tilespmem:$0x20];
	_ =	sdelay $0x4  }
0x2e: {  	v34 =	vshll.u32 v3, $0x1  }
0x2f: {  	v3 =	vand.u32 $0x7, v3;
	v4 =	vand.u32 $0xFFFFFFF0, v34  }
0x30: {  	v3 =	vor.u32 v3, v4  }
0x31: {  	v4 =	vperm.xlane v3, v0;
	_ =	sdelay $0x1  }
0x32: {  	v3 =	vperm.xlane v3, v2;
	v4 =	vadd.s32 v1, v4;
	_ =	sdelay $0x1  }
0x33: {  	v3 =	vadd.s32 v1, v3;
	_ =	sdelay $0x2  }
0x34: {  	[tilespmem:s18], [sflag:$0x1] =	stream.indirect_vreg.gather [hbm4b:s3+s2], $0x80, v4, vm0, $0xb8;
	[tilespmem:$0x10200] =	vst v63  }
0x35: {  	_ = 	snop  }
0x36: {  	[tilespmem:s19], [sflag:$0x1] =	stream.indirect_vreg.gather [hbm4b:s3+s2], $0x80, v3, vm0, $0xb8;
	[tilespmem:$0x10200] =	vst v63  }
0x37: {  	v3 =	vld [tilespmem:$0x30];
	_ =	sdelay $0x4  }
0x38: {  	v35 =	vshll.u32 v3, $0x1  }
0x39: {  	v3 =	vand.u32 $0x7, v3;
	v4 =	vand.u32 $0xFFFFFFF0, v35  }
0x3a: {  	v3 =	vor.u32 v3, v4  }
0x3b: {  	v4 =	vperm.xlane v3, v0;
	_ =	sdelay $0x1  }
0x3c: {  	v3 =	vperm.xlane v3, v2;
	v4 =	vadd.s32 v1, v4;
	_ =	sdelay $0x1  }
0x3d: {  	v3 =	vadd.s32 v1, v3;
	_ =	sdelay $0x2  }
0x3e: {  	[tilespmem:s4], [sflag:$0x1] =	stream.indirect_vreg.gather [hbm4b:s3+s2], $0x80, v4, vm0, $0xb8;
	[tilespmem:$0x10200] =	vst v63  }
0x3f: {  	_ = 	snop  }
0x40: {  	[tilespmem:s21], [sflag:$0x1] =	stream.indirect_vreg.gather [hbm4b:s3+s2], $0x80, v3, vm0, $0xb8;
	[tilespmem:$0x10200] =	vst v63  }
0x41: {  	v3 =	vld [tilespmem:$0x40];
	_ =	sdelay $0x4  }
0x42: {  	v36 =	vshll.u32 v3, $0x1  }
0x43: {  	v3 =	vand.u32 $0x7, v3;
	v4 =	vand.u32 $0xFFFFFFF0, v36  }
0x44: {  	v3 =	vor.u32 v3, v4  }
0x45: {  	v4 =	vperm.xlane v3, v0;
	_ =	sdelay $0x1  }
0x46: {  	v3 =	vperm.xlane v3, v2;
	v4 =	vadd.s32 v1, v4;
	_ =	sdelay $0x1  }
0x47: {  	v3 =	vadd.s32 v1, v3;
	_ =	sdelay $0x2  }
0x48: {  	[tilespmem:s22], [sflag:$0x1] =	stream.indirect_vreg.gather [hbm4b:s3+s2], $0x80, v4, vm0, $0xb8;
	[tilespmem:$0x10200] =	vst v63  }
0x49: {  	_ = 	snop  }
0x4a: {  	[tilespmem:s23], [sflag:$0x1] =	stream.indirect_vreg.gather [hbm4b:s3+s2], $0x80, v3, vm0, $0xb8;
	[tilespmem:$0x10200] =	vst v63  }
0x4b: {  	v3 =	vld [tilespmem:$0x50];
	_ =	sdelay $0x4  }
0x4c: {  	v37 =	vshll.u32 v3, $0x1  }
0x4d: {  	v3 =	vand.u32 $0x7, v3;
	v4 =	vand.u32 $0xFFFFFFF0, v37  }
0x4e: {  	v3 =	vor.u32 v3, v4  }
0x4f: {  	v4 =	vperm.xlane v3, v0;
	_ =	sdelay $0x1  }
0x50: {  	v3 =	vperm.xlane v3, v2;
	v4 =	vadd.s32 v1, v4;
	_ =	sdelay $0x1  }
0x51: {  	v3 =	vadd.s32 v1, v3;
	_ =	sdelay $0x2  }
0x52: {  	[tilespmem:s24], [sflag:$0x1] =	stream.indirect_vreg.gather [hbm4b:s3+s2], $0x80, v4, vm0, $0xb8;
	[tilespmem:$0x10200] =	vst v63  }
0x53: {  	_ = 	snop  }
0x54: {  	[tilespmem:s25], [sflag:$0x1] =	stream.indirect_vreg.gather [hbm4b:s3+s2], $0x80, v3, vm0, $0xb8;
	[tilespmem:$0x10200] =	vst v63  }
0x55: {  	v3 =	vld [tilespmem:$0x60];
	_ =	sdelay $0x4  }
0x56: {  	v38 =	vshll.u32 v3, $0x1  }
0x57: {  	v3 =	vand.u32 $0x7, v3;
	v4 =	vand.u32 $0xFFFFFFF0, v38  }
0x58: {  	v3 =	vor.u32 v3, v4  }
0x59: {  	v4 =	vperm.xlane v3, v0;
	_ =	sdelay $0x1  }
0x5a: {  	v3 =	vperm.xlane v3, v2;
	v4 =	vadd.s32 v1, v4;
	_ =	sdelay $0x1  }
0x5b: {  	v3 =	vadd.s32 v1, v3;
	_ =	sdelay $0x2  }
0x5c: {  	[tilespmem:s26], [sflag:$0x1] =	stream.indirect_vreg.gather [hbm4b:s3+s2], $0x80, v4, vm0, $0xb8;
	[tilespmem:$0x10200] =	vst v63  }
0x5d: {  	_ = 	snop  }
0x5e: {  	[tilespmem:s28], [sflag:$0x1] =	stream.indirect_vreg.gather [hbm4b:s3+s2], $0x80, v3, vm0, $0xb8;
	[tilespmem:$0x10200] =	vst v63  }
0x5f: {  	v3 =	vld [tilespmem:$0x70];
	_ =	sdelay $0x4  }
0x60: {  	v39 =	vshll.u32 v3, $0x1  }
0x61: {  	v3 =	vand.u32 $0x7, v3;
	v4 =	vand.u32 $0xFFFFFFF0, v39  }
0x62: {  	v3 =	vor.u32 v3, v4  }
0x63: {  	v4 =	vperm.xlane v3, v0;
	_ =	sdelay $0x1  }
0x64: {  	v3 =	vperm.xlane v3, v2;
	v4 =	vadd.s32 v1, v4;
	_ =	sdelay $0x1  }
0x65: {  	v3 =	vadd.s32 v1, v3;
	_ =	sdelay $0x2  }
0x66: {  	[tilespmem:s29], [sflag:$0x1] =	stream.indirect_vreg.gather [hbm4b:s3+s2], $0x80, v4, vm0, $0xb8;
	[tilespmem:$0x10200] =	vst v63  }
0x67: {  	_ = 	snop  }
0x68: {  	[tilespmem:s30], [sflag:$0x1] =	stream.indirect_vreg.gather [hbm4b:s3+s2], $0x80, v3, vm0, $0xb8;
	[tilespmem:$0x10200] =	vst v63  }
0x69: {  	v3 =	vld [tilespmem:$0x80];
	_ =	sdelay $0x4  }
0x6a: {  	v40 =	vshll.u32 v3, $0x1  }
0x6b: {  	v3 =	vand.u32 $0x7, v3;
	v4 =	vand.u32 $0xFFFFFFF0, v40  }
0x6c: {  	v3 =	vor.u32 v3, v4  }
0x6d: {  	v4 =	vperm.xlane v3, v0;
	_ =	sdelay $0x1  }
0x6e: {  	v3 =	vperm.xlane v3, v2;
	v4 =	vadd.s32 v1, v4;
	_ =	sdelay $0x1  }
0x6f: {  	v3 =	vadd.s32 v1, v3;
	_ =	sdelay $0x2  }
0x70: {  	[tilespmem:s31], [sflag:$0x1] =	stream.indirect_vreg.gather [hbm4b:s3+s2], $0x80, v4, vm0, $0xb8;
	[tilespmem:$0x10200] =	vst v63  }
0x71: {  	s20 =	simm.s32 $0x8A00  }
0x72: {  	[tilespmem:s20], [sflag:$0x1] =	stream.indirect_vreg.gather [hbm4b:s3+s2], $0x80, v3, vm0, $0xb8;
	[tilespmem:$0x10200] =	vst v63  }
0x73: {  	v3 =	vld [tilespmem:$0x90];
	_ =	sdelay $0x4  }
0x74: {  	v41 =	vshll.u32 v3, $0x1  }
0x75: {  	v3 =	vand.u32 $0x7, v3;
	v4 =	vand.u32 $0xFFFFFFF0, v41  }
0x76: {  	v3 =	vor.u32 v3, v4  }
0x77: {  	v4 =	vperm.xlane v3, v0;
	_ =	sdelay $0x1  }
0x78: {  	v3 =	vperm.xlane v3, v2;
	v4 =	vadd.s32 v1, v4;
	_ =	sdelay $0x1  }
0x79: {  	v3 =	vadd.s32 v1, v3;
	_ =	sdelay $0x2  }
0x7a: {  	[tilespmem:s1], [sflag:$0x1] =	stream.indirect_vreg.gather [hbm4b:s3+s2], $0x80, v4, vm0, $0xb8;
	[tilespmem:$0x10200] =	vst v63  }
0x7b: {  	_ = 	snop  }
0x7c: {  	[tilespmem:s8], [sflag:$0x1] =	stream.indirect_vreg.gather [hbm4b:s3+s2], $0x80, v3, vm0, $0xb8;
	[tilespmem:$0x10200] =	vst v63  }
0x7d: {  	v3 =	vld [tilespmem:$0xA0];
	_ =	sdelay $0x4  }
0x7e: {  	v42 =	vshll.u32 v3, $0x1  }
0x7f: {  	v3 =	vand.u32 $0x7, v3;
	v4 =	vand.u32 $0xFFFFFFF0, v42  }
0x80: {  	v3 =	vor.u32 v3, v4  }
0x81: {  	v4 =	vperm.xlane v3, v0;
	_ =	sdelay $0x1  }
0x82: {  	v3 =	vperm.xlane v3, v2;
	v4 =	vadd.s32 v1, v4;
	_ =	sdelay $0x1  }
0x83: {  	v3 =	vadd.s32 v1, v3;
	_ =	sdelay $0x2  }
0x84: {  	[tilespmem:s9], [sflag:$0x1] =	stream.indirect_vreg.gather [hbm4b:s3+s2], $0x80, v4, vm0, $0xb8;
	[tilespmem:$0x10200] =	vst v63  }
0x85: {  	_ = 	snop  }
0x86: {  	[tilespmem:s10], [sflag:$0x1] =	stream.indirect_vreg.gather [hbm4b:s3+s2], $0x80, v3, vm0, $0xb8;
	[tilespmem:$0x10200] =	vst v63  }
0x87: {  	v3 =	vld [tilespmem:$0xB0];
	_ =	sdelay $0x4  }
0x88: {  	v43 =	vshll.u32 v3, $0x1  }
0x89: {  	v3 =	vand.u32 $0x7, v3;
	v4 =	vand.u32 $0xFFFFFFF0, v43  }
0x8a: {  	v3 =	vor.u32 v3, v4  }
0x8b: {  	v4 =	vperm.xlane v3, v0;
	_ =	sdelay $0x1  }
0x8c: {  	v3 =	vperm.xlane v3, v2;
	v4 =	vadd.s32 v1, v4;
	_ =	sdelay $0x1  }
0x8d: {  	v3 =	vadd.s32 v1, v3;
	_ =	sdelay $0x2  }
0x8e: {  	[tilespmem:s11], [sflag:$0x1] =	stream.indirect_vreg.gather [hbm4b:s3+s2], $0x80, v4, vm0, $0xb8;
	[tilespmem:$0x10200] =	vst v63  }
0x8f: {  	_ = 	snop  }
0x90: {  	[tilespmem:s12], [sflag:$0x1] =	stream.indirect_vreg.gather [hbm4b:s3+s2], $0x80, v3, vm0, $0xb8;
	[tilespmem:$0x10200] =	vst v63  }
0x91: {  	v3 =	vld [tilespmem:$0xC0];
	_ =	sdelay $0x4  }
0x92: {  	v44 =	vshll.u32 v3, $0x1  }
0x93: {  	v3 =	vand.u32 $0x7, v3;
	v4 =	vand.u32 $0xFFFFFFF0, v44  }
0x94: {  	v3 =	vor.u32 v3, v4  }
0x95: {  	v4 =	vperm.xlane v3, v0;
	_ =	sdelay $0x1  }
0x96: {  	v3 =	vperm.xlane v3, v2;
	v4 =	vadd.s32 v1, v4;
	_ =	sdelay $0x1  }
0x97: {  	v3 =	vadd.s32 v1, v3;
	_ =	sdelay $0x2  }
0x98: {  	[tilespmem:s13], [sflag:$0x1] =	stream.indirect_vreg.gather [hbm4b:s3+s2], $0x80, v4, vm0, $0xb8;
	[tilespmem:$0x10200] =	vst v63  }
0x99: {  	_ = 	snop  }
0x9a: {  	[tilespmem:s7], [sflag:$0x1] =	stream.indirect_vreg.gather [hbm4b:s3+s2], $0x80, v3, vm0, $0xb8;
	[tilespmem:$0x10200] =	vst v63  }
0x9b: {  	v3 =	vld [tilespmem:$0xD0];
	_ =	sdelay $0x4  }
0x9c: {  	v45 =	vshll.u32 v3, $0x1  }
0x9d: {  	v3 =	vand.u32 $0x7, v3;
	v4 =	vand.u32 $0xFFFFFFF0, v45  }
0x9e: {  	v3 =	vor.u32 v3, v4  }
0x9f: {  	v4 =	vperm.xlane v3, v0;
	_ =	sdelay $0x1  }
0xa0: {  	v3 =	vperm.xlane v3, v2;
	v4 =	vadd.s32 v1, v4;
	_ =	sdelay $0x1  }
0xa1: {  	v3 =	vadd.s32 v1, v3;
	_ =	sdelay $0x1  }
0xa2: {  	s20 =	simm.s32 $0xD200  }
0xa3: {  	[tilespmem:s20], [sflag:$0x1] =	stream.indirect_vreg.gather [hbm4b:s3+s2], $0x80, v4, vm0, $0xb8;
	[tilespmem:$0x10200] =	vst v63  }
0xa4: {  	s20 =	simm.s32 $0xDA00  }
0xa5: {  	[tilespmem:s20], [sflag:$0x1] =	stream.indirect_vreg.gather [hbm4b:s3+s2], $0x80, v3, vm0, $0xb8;
	[tilespmem:$0x10200] =	vst v63  }
0xa6: {  	v3 =	vld [tilespmem:$0xE0];
	_ =	sdelay $0x4  }
0xa7: {  	v46 =	vshll.u32 v3, $0x1  }
0xa8: {  	v3 =	vand.u32 $0x7, v3;
	v4 =	vand.u32 $0xFFFFFFF0, v46  }
0xa9: {  	v3 =	vor.u32 v3, v4  }
0xaa: {  	v4 =	vperm.xlane v3, v0;
	_ =	sdelay $0x1  }
0xab: {  	v3 =	vperm.xlane v3, v2;
	v4 =	vadd.s32 v1, v4;
	_ =	sdelay $0x1  }
0xac: {  	v3 =	vadd.s32 v1, v3;
	_ =	sdelay $0x1  }
0xad: {  	s20 =	simm.s32 $0xE200  }
0xae: {  	[tilespmem:s20], [sflag:$0x1] =	stream.indirect_vreg.gather [hbm4b:s3+s2], $0x80, v4, vm0, $0xb8;
	[tilespmem:$0x10200] =	vst v63  }
0xaf: {  	s20 =	simm.s32 $0xEA00  }
0xb0: {  	[tilespmem:s20], [sflag:$0x1] =	stream.indirect_vreg.gather [hbm4b:s3+s2], $0x80, v3, vm0, $0xb8;
	[tilespmem:$0x10200] =	vst v63  }
0xb1: {  	v3 =	vld [tilespmem:$0xF0];
	_ =	sdelay $0x4  }
0xb2: {  	v47 =	vshll.u32 v3, $0x1  }
0xb3: {  	v3 =	vand.u32 $0x7, v3;
	v4 =	vand.u32 $0xFFFFFFF0, v47  }
0xb4: {  	v3 =	vor.u32 v3, v4  }
0xb5: {  	v4 =	vperm.xlane v3, v0;
	_ =	sdelay $0x1  }
0xb6: {  	v3 =	vperm.xlane v3, v2;
	v4 =	vadd.s32 v1, v4;
	_ =	sdelay $0x1  }
0xb7: {  	v3 =	vadd.s32 v1, v3;
	_ =	sdelay $0x1  }
0xb8: {  	s20 =	simm.s32 $0xF200  }
0xb9: {  	[tilespmem:s20], [sflag:$0x1] =	stream.indirect_vreg.gather [hbm4b:s3+s2], $0x80, v4, vm0, $0xb8;
	[tilespmem:$0x10200] =	vst v63  }
0xba: {  	s20 =	simm.s32 $0xFA00  }
0xbb: {  	[tilespmem:s20], [sflag:$0x1] =	stream.indirect_vreg.gather [hbm4b:s3+s2], $0x80, v3, vm0, $0xb8;
	[tilespmem:$0x10200] =	vst v63  }
0xbc: {  	_ =	swait.ge [sflag:s14], $0x10000  }
0xbd: {  	[sflag:s14] =	ssyncset.done $0x0  }
0xbe: {  	s0 =	simm.s32 $0x200;
	s20 =	rddreg [dreg:$0x6];
	[sflag:s14] =	ssyncadd.s32 $0xFFFF0000  }
0xbf: {  	[hbm4b:s20+s2] =	stream.linear.scatter [tilespmem:s0], [sflag:$0x2], $0x10000, $0x38;
	[tilespmem:$0x10200] =	vst v63  }
0xc0: {  	_ =	swait.ge [sflag:s6], $0x10000  }
0xc1: {  	[sflag:s6] =	ssyncset.done $0x0  }
0xc2: {  	[sflag:s6] =	ssyncadd.s32 $0xFFFF0000  }
0xc3: {  	v3 =	vld [tilespmem:$0x100];
	_ =	sdelay $0x4  }
0xc4: {  	v48 =	vshll.u32 v3, $0x1  }
0xc5: {  	v3 =	vand.u32 $0x7, v3;
	v4 =	vand.u32 $0xFFFFFFF0, v48  }
0xc6: {  	v3 =	vor.u32 v3, v4  }
0xc7: {  	v4 =	vperm.xlane v3, v0;
	_ =	sdelay $0x1  }
0xc8: {  	v3 =	vperm.xlane v3, v2;
	v4 =	vadd.s32 v1, v4;
	_ =	sdelay $0x1  }
0xc9: {  	v3 =	vadd.s32 v1, v3;
	_ =	sdelay $0x2  }
0xca: {  	[tilespmem:s0], [sflag:$0x1] =	stream.indirect_vreg.gather [hbm4b:s3+s2], $0x80, v4, vm0, $0xb8;
	[tilespmem:$0x10200] =	vst v63  }
0xcb: {  	_ = 	snop  }
0xcc: {  	[tilespmem:s15], [sflag:$0x1] =	stream.indirect_vreg.gather [hbm4b:s3+s2], $0x80, v3, vm0, $0xb8;
	[tilespmem:$0x10200] =	vst v63  }
0xcd: {  	v3 =	vld [tilespmem:$0x110];
	_ =	sdelay $0x4  }
0xce: {  	v49 =	vshll.u32 v3, $0x1  }
0xcf: {  	v3 =	vand.u32 $0x7, v3;
	v4 =	vand.u32 $0xFFFFFFF0, v49  }
0xd0: {  	v3 =	vor.u32 v3, v4  }
0xd1: {  	v4 =	vperm.xlane v3, v0;
	_ =	sdelay $0x1  }
0xd2: {  	v3 =	vperm.xlane v3, v2;
	v4 =	vadd.s32 v1, v4;
	_ =	sdelay $0x1  }
0xd3: {  	v3 =	vadd.s32 v1, v3;
	_ =	sdelay $0x2  }
0xd4: {  	[tilespmem:s16], [sflag:$0x1] =	stream.indirect_vreg.gather [hbm4b:s3+s2], $0x80, v4, vm0, $0xb8;
	[tilespmem:$0x10200] =	vst v63  }
0xd5: {  	_ = 	snop  }
0xd6: {  	[tilespmem:s17], [sflag:$0x1] =	stream.indirect_vreg.gather [hbm4b:s3+s2], $0x80, v3, vm0, $0xb8;
	[tilespmem:$0x10200] =	vst v63  }
0xd7: {  	v3 =	vld [tilespmem:$0x120];
	_ =	sdelay $0x4  }
0xd8: {  	v50 =	vshll.u32 v3, $0x1  }
0xd9: {  	v3 =	vand.u32 $0x7, v3;
	v4 =	vand.u32 $0xFFFFFFF0, v50  }
0xda: {  	v3 =	vor.u32 v3, v4  }
0xdb: {  	v4 =	vperm.xlane v3, v0;
	_ =	sdelay $0x1  }
0xdc: {  	v3 =	vperm.xlane v3, v2;
	v4 =	vadd.s32 v1, v4;
	_ =	sdelay $0x1  }
0xdd: {  	v3 =	vadd.s32 v1, v3;
	_ =	sdelay $0x2  }
0xde: {  	[tilespmem:s18], [sflag:$0x1] =	stream.indirect_vreg.gather [hbm4b:s3+s2], $0x80, v4, vm0, $0xb8;
	[tilespmem:$0x10200] =	vst v63  }
0xdf: {  	_ = 	snop  }
0xe0: {  	[tilespmem:s19], [sflag:$0x1] =	stream.indirect_vreg.gather [hbm4b:s3+s2], $0x80, v3, vm0, $0xb8;
	[tilespmem:$0x10200] =	vst v63  }
0xe1: {  	v3 =	vld [tilespmem:$0x130];
	_ =	sdelay $0x4  }
0xe2: {  	v51 =	vshll.u32 v3, $0x1  }
0xe3: {  	v3 =	vand.u32 $0x7, v3;
	v4 =	vand.u32 $0xFFFFFFF0, v51  }
0xe4: {  	v3 =	vor.u32 v3, v4  }
0xe5: {  	v4 =	vperm.xlane v3, v0;
	_ =	sdelay $0x1  }
0xe6: {  	v3 =	vperm.xlane v3, v2;
	v4 =	vadd.s32 v1, v4;
	_ =	sdelay $0x1  }
0xe7: {  	v3 =	vadd.s32 v1, v3;
	_ =	sdelay $0x2  }
0xe8: {  	[tilespmem:s4], [sflag:$0x1] =	stream.indirect_vreg.gather [hbm4b:s3+s2], $0x80, v4, vm0, $0xb8;
	[tilespmem:$0x10200] =	vst v63  }
0xe9: {  	_ = 	snop  }
0xea: {  	[tilespmem:s21], [sflag:$0x1] =	stream.indirect_vreg.gather [hbm4b:s3+s2], $0x80, v3, vm0, $0xb8;
	[tilespmem:$0x10200] =	vst v63  }
0xeb: {  	v3 =	vld [tilespmem:$0x140];
	_ =	sdelay $0x4  }
0xec: {  	v52 =	vshll.u32 v3, $0x1  }
0xed: {  	v3 =	vand.u32 $0x7, v3;
	v4 =	vand.u32 $0xFFFFFFF0, v52  }
0xee: {  	v3 =	vor.u32 v3, v4  }
0xef: {  	v4 =	vperm.xlane v3, v0;
	_ =	sdelay $0x1  }
0xf0: {  	v3 =	vperm.xlane v3, v2;
	v4 =	vadd.s32 v1, v4;
	_ =	sdelay $0x1  }
0xf1: {  	v3 =	vadd.s32 v1, v3;
	_ =	sdelay $0x2  }
0xf2: {  	[tilespmem:s22], [sflag:$0x1] =	stream.indirect_vreg.gather [hbm4b:s3+s2], $0x80, v4, vm0, $0xb8;
	[tilespmem:$0x10200] =	vst v63  }
0xf3: {  	_ = 	snop  }
0xf4: {  	[tilespmem:s23], [sflag:$0x1] =	stream.indirect_vreg.gather [hbm4b:s3+s2], $0x80, v3, vm0, $0xb8;
	[tilespmem:$0x10200] =	vst v63  }
0xf5: {  	v3 =	vld [tilespmem:$0x150];
	_ =	sdelay $0x4  }
0xf6: {  	v53 =	vshll.u32 v3, $0x1  }
0xf7: {  	v3 =	vand.u32 $0x7, v3;
	v4 =	vand.u32 $0xFFFFFFF0, v53  }
0xf8: {  	v3 =	vor.u32 v3, v4  }
0xf9: {  	v4 =	vperm.xlane v3, v0;
	_ =	sdelay $0x1  }
0xfa: {  	v3 =	vperm.xlane v3, v2;
	v4 =	vadd.s32 v1, v4;
	_ =	sdelay $0x1  }
0xfb: {  	v3 =	vadd.s32 v1, v3;
	_ =	sdelay $0x2  }
0xfc: {  	[tilespmem:s24], [sflag:$0x1] =	stream.indirect_vreg.gather [hbm4b:s3+s2], $0x80, v4, vm0, $0xb8;
	[tilespmem:$0x10200] =	vst v63  }
0xfd: {  	_ = 	snop  }
0xfe: {  	[tilespmem:s25], [sflag:$0x1] =	stream.indirect_vreg.gather [hbm4b:s3+s2], $0x80, v3, vm0, $0xb8;
	[tilespmem:$0x10200] =	vst v63  }
0xff: {  	v3 =	vld [tilespmem:$0x160];
	_ =	sdelay $0x4  }
0x100: {  	v54 =	vshll.u32 v3, $0x1  }
0x101: {  	v3 =	vand.u32 $0x7, v3;
	v4 =	vand.u32 $0xFFFFFFF0, v54  }
0x102: {  	v3 =	vor.u32 v3, v4  }
0x103: {  	v4 =	vperm.xlane v3, v0;
	_ =	sdelay $0x1  }
0x104: {  	v3 =	vperm.xlane v3, v2;
	v4 =	vadd.s32 v1, v4;
	_ =	sdelay $0x1  }
0x105: {  	v3 =	vadd.s32 v1, v3;
	_ =	sdelay $0x2  }
0x106: {  	[tilespmem:s26], [sflag:$0x1] =	stream.indirect_vreg.gather [hbm4b:s3+s2], $0x80, v4, vm0, $0xb8;
	[tilespmem:$0x10200] =	vst v63  }
0x107: {  	_ = 	snop  }
0x108: {  	[tilespmem:s28], [sflag:$0x1] =	stream.indirect_vreg.gather [hbm4b:s3+s2], $0x80, v3, vm0, $0xb8;
	[tilespmem:$0x10200] =	vst v63  }
0x109: {  	v3 =	vld [tilespmem:$0x170];
	_ =	sdelay $0x4  }
0x10a: {  	v55 =	vshll.u32 v3, $0x1  }
0x10b: {  	v3 =	vand.u32 $0x7, v3;
	v4 =	vand.u32 $0xFFFFFFF0, v55  }
0x10c: {  	v3 =	vor.u32 v3, v4  }
0x10d: {  	v4 =	vperm.xlane v3, v0;
	_ =	sdelay $0x1  }
0x10e: {  	v3 =	vperm.xlane v3, v2;
	v4 =	vadd.s32 v1, v4;
	_ =	sdelay $0x1  }
0x10f: {  	v3 =	vadd.s32 v1, v3;
	_ =	sdelay $0x2  }
0x110: {  	[tilespmem:s29], [sflag:$0x1] =	stream.indirect_vreg.gather [hbm4b:s3+s2], $0x80, v4, vm0, $0xb8;
	[tilespmem:$0x10200] =	vst v63  }
0x111: {  	_ = 	snop  }
0x112: {  	[tilespmem:s30], [sflag:$0x1] =	stream.indirect_vreg.gather [hbm4b:s3+s2], $0x80, v3, vm0, $0xb8;
	[tilespmem:$0x10200] =	vst v63  }
0x113: {  	v3 =	vld [tilespmem:$0x180];
	_ =	sdelay $0x4  }
0x114: {  	v56 =	vshll.u32 v3, $0x1  }
0x115: {  	v3 =	vand.u32 $0x7, v3;
	v4 =	vand.u32 $0xFFFFFFF0, v56  }
0x116: {  	v3 =	vor.u32 v3, v4  }
0x117: {  	v4 =	vperm.xlane v3, v0;
	_ =	sdelay $0x1  }
0x118: {  	v3 =	vperm.xlane v3, v2;
	v4 =	vadd.s32 v1, v4;
	_ =	sdelay $0x1  }
0x119: {  	v3 =	vadd.s32 v1, v3;
	_ =	sdelay $0x2  }
0x11a: {  	[tilespmem:s31], [sflag:$0x1] =	stream.indirect_vreg.gather [hbm4b:s3+s2], $0x80, v4, vm0, $0xb8;
	[tilespmem:$0x10200] =	vst v63  }
0x11b: {  	s15 =	simm.s32 $0x8A00  }
0x11c: {  	[tilespmem:s15], [sflag:$0x1] =	stream.indirect_vreg.gather [hbm4b:s3+s2], $0x80, v3, vm0, $0xb8;
	[tilespmem:$0x10200] =	vst v63  }
0x11d: {  	v3 =	vld [tilespmem:$0x190];
	_ =	sdelay $0x4  }
0x11e: {  	v57 =	vshll.u32 v3, $0x1  }
0x11f: {  	v3 =	vand.u32 $0x7, v3;
	v4 =	vand.u32 $0xFFFFFFF0, v57  }
0x120: {  	v3 =	vor.u32 v3, v4  }
0x121: {  	v4 =	vperm.xlane v3, v0;
	_ =	sdelay $0x1  }
0x122: {  	v3 =	vperm.xlane v3, v2;
	v4 =	vadd.s32 v1, v4;
	_ =	sdelay $0x1  }
0x123: {  	v3 =	vadd.s32 v1, v3;
	_ =	sdelay $0x2  }
0x124: {  	[tilespmem:s1], [sflag:$0x1] =	stream.indirect_vreg.gather [hbm4b:s3+s2], $0x80, v4, vm0, $0xb8;
	[tilespmem:$0x10200] =	vst v63  }
0x125: {  	_ = 	snop  }
0x126: {  	[tilespmem:s8], [sflag:$0x1] =	stream.indirect_vreg.gather [hbm4b:s3+s2], $0x80, v3, vm0, $0xb8;
	[tilespmem:$0x10200] =	vst v63  }
0x127: {  	v3 =	vld [tilespmem:$0x1A0];
	_ =	sdelay $0x4  }
0x128: {  	v58 =	vshll.u32 v3, $0x1  }
0x129: {  	v3 =	vand.u32 $0x7, v3;
	v4 =	vand.u32 $0xFFFFFFF0, v58  }
0x12a: {  	v3 =	vor.u32 v3, v4  }
0x12b: {  	v4 =	vperm.xlane v3, v0;
	_ =	sdelay $0x1  }
0x12c: {  	v3 =	vperm.xlane v3, v2;
	v4 =	vadd.s32 v1, v4;
	_ =	sdelay $0x1  }
0x12d: {  	v3 =	vadd.s32 v1, v3;
	_ =	sdelay $0x2  }
0x12e: {  	[tilespmem:s9], [sflag:$0x1] =	stream.indirect_vreg.gather [hbm4b:s3+s2], $0x80, v4, vm0, $0xb8;
	[tilespmem:$0x10200] =	vst v63  }
0x12f: {  	_ = 	snop  }
0x130: {  	[tilespmem:s10], [sflag:$0x1] =	stream.indirect_vreg.gather [hbm4b:s3+s2], $0x80, v3, vm0, $0xb8;
	[tilespmem:$0x10200] =	vst v63  }
0x131: {  	v3 =	vld [tilespmem:$0x1B0];
	_ =	sdelay $0x4  }
0x132: {  	v59 =	vshll.u32 v3, $0x1  }
0x133: {  	v3 =	vand.u32 $0x7, v3;
	v4 =	vand.u32 $0xFFFFFFF0, v59  }
0x134: {  	v3 =	vor.u32 v3, v4  }
0x135: {  	v4 =	vperm.xlane v3, v0;
	_ =	sdelay $0x1  }
0x136: {  	v3 =	vperm.xlane v3, v2;
	v4 =	vadd.s32 v1, v4;
	_ =	sdelay $0x1  }
0x137: {  	v3 =	vadd.s32 v1, v3;
	_ =	sdelay $0x2  }
0x138: {  	[tilespmem:s11], [sflag:$0x1] =	stream.indirect_vreg.gather [hbm4b:s3+s2], $0x80, v4, vm0, $0xb8;
	[tilespmem:$0x10200] =	vst v63  }
0x139: {  	_ = 	snop  }
0x13a: {  	[tilespmem:s12], [sflag:$0x1] =	stream.indirect_vreg.gather [hbm4b:s3+s2], $0x80, v3, vm0, $0xb8;
	[tilespmem:$0x10200] =	vst v63  }
0x13b: {  	v3 =	vld [tilespmem:$0x1C0];
	_ =	sdelay $0x4  }
0x13c: {  	v60 =	vshll.u32 v3, $0x1  }
0x13d: {  	v3 =	vand.u32 $0x7, v3;
	v4 =	vand.u32 $0xFFFFFFF0, v60  }
0x13e: {  	v3 =	vor.u32 v3, v4  }
0x13f: {  	v4 =	vperm.xlane v3, v0;
	_ =	sdelay $0x1  }
0x140: {  	v3 =	vperm.xlane v3, v2;
	v4 =	vadd.s32 v1, v4;
	_ =	sdelay $0x1  }
0x141: {  	v3 =	vadd.s32 v1, v3;
	_ =	sdelay $0x2  }
0x142: {  	[tilespmem:s13], [sflag:$0x1] =	stream.indirect_vreg.gather [hbm4b:s3+s2], $0x80, v4, vm0, $0xb8;
	[tilespmem:$0x10200] =	vst v63  }
0x143: {  	_ = 	snop  }
0x144: {  	[tilespmem:s7], [sflag:$0x1] =	stream.indirect_vreg.gather [hbm4b:s3+s2], $0x80, v3, vm0, $0xb8;
	[tilespmem:$0x10200] =	vst v63  }
0x145: {  	v3 =	vld [tilespmem:$0x1D0];
	_ =	sdelay $0x4  }
0x146: {  	v61 =	vshll.u32 v3, $0x1  }
0x147: {  	v3 =	vand.u32 $0x7, v3;
	v4 =	vand.u32 $0xFFFFFFF0, v61  }
0x148: {  	v3 =	vor.u32 v3, v4  }
0x149: {  	v4 =	vperm.xlane v3, v0;
	_ =	sdelay $0x1  }
0x14a: {  	v3 =	vperm.xlane v3, v2;
	v4 =	vadd.s32 v1, v4;
	_ =	sdelay $0x1  }
0x14b: {  	v3 =	vadd.s32 v1, v3;
	_ =	sdelay $0x1  }
0x14c: {  	s15 =	simm.s32 $0xD200  }
0x14d: {  	[tilespmem:s15], [sflag:$0x1] =	stream.indirect_vreg.gather [hbm4b:s3+s2], $0x80, v4, vm0, $0xb8;
	[tilespmem:$0x10200] =	vst v63  }
0x14e: {  	s15 =	simm.s32 $0xDA00  }
0x14f: {  	[tilespmem:s15], [sflag:$0x1] =	stream.indirect_vreg.gather [hbm4b:s3+s2], $0x80, v3, vm0, $0xb8;
	[tilespmem:$0x10200] =	vst v63  }
0x150: {  	v3 =	vld [tilespmem:$0x1E0];
	_ =	sdelay $0x4  }
0x151: {  	v62 =	vshll.u32 v3, $0x1  }
0x152: {  	v3 =	vand.u32 $0x7, v3;
	v4 =	vand.u32 $0xFFFFFFF0, v62  }
0x153: {  	v3 =	vor.u32 v3, v4  }
0x154: {  	v4 =	vperm.xlane v3, v0;
	_ =	sdelay $0x1  }
0x155: {  	v3 =	vperm.xlane v3, v2;
	v4 =	vadd.s32 v1, v4;
	_ =	sdelay $0x1  }
0x156: {  	v3 =	vadd.s32 v1, v3;
	_ =	sdelay $0x1  }
0x157: {  	s15 =	simm.s32 $0xE200  }
0x158: {  	[tilespmem:s15], [sflag:$0x1] =	stream.indirect_vreg.gather [hbm4b:s3+s2], $0x80, v4, vm0, $0xb8;
	[tilespmem:$0x10200] =	vst v63  }
0x159: {  	s15 =	simm.s32 $0xEA00  }
0x15a: {  	[tilespmem:s15], [sflag:$0x1] =	stream.indirect_vreg.gather [hbm4b:s3+s2], $0x80, v3, vm0, $0xb8;
	[tilespmem:$0x10200] =	vst v63  }
0x15b: {  	v3 =	vld [tilespmem:$0x1F0];
	_ =	sdelay $0x4  }
0x15c: {  	v63 =	vshll.u32 v3, $0x1  }
0x15d: {  	v3 =	vand.u32 $0x7, v3;
	v4 =	vand.u32 $0xFFFFFFF0, v63  }
0x15e: {  	v3 =	vor.u32 v3, v4  }
0x15f: {  	v4 =	vperm.xlane v3, v0;
	_ =	sdelay $0x1  }
0x160: {  	v3 =	vperm.xlane v3, v2;
	v4 =	vadd.s32 v1, v4;
	_ =	sdelay $0x1  }
0x161: {  	v3 =	vadd.s32 v1, v3;
	_ =	sdelay $0x1  }
0x162: {  	s15 =	simm.s32 $0xF200  }
0x163: {  	[tilespmem:s15], [sflag:$0x1] =	stream.indirect_vreg.gather [hbm4b:s3+s2], $0x80, v4, vm0, $0xb8;
	[tilespmem:$0x10200] =	vst v63  }
0x164: {  	s15 =	simm.s32 $0xFA00  }
0x165: {  	[tilespmem:s15], [sflag:$0x1] =	stream.indirect_vreg.gather [hbm4b:s3+s2], $0x80, v3, vm0, $0xb8;
	[tilespmem:$0x10200] =	vst v63  }
0x166: {  	_ =	swait.ge [sflag:s14], $0x10000  }
0x167: {  	p0 =	sne.s32 s5, $0x1;
	s20 =	simm.s32 $0x200;
	[sflag:s14] =	ssyncset.done $0x0  }
.Ltmp0:
0x168: {  	s0 =	rddreg [dreg:$0x5];
	[sflag:s14] =	ssyncadd.s32 $0xFFFF0000;
	(pc) =	sbr.rel @p0 .LBB2_1-.Ltmp0, $4  }
0x169: {  	[hbm4b:s0+s2] =	stream.linear.scatter [tilespmem:s20], [sflag:$0x2], $0x10000, $0x38;
	[tilespmem:$0x10200] =	vst v63  }
0x16a: {  	_ =	swait.ge [sflag:s6], $0x10000  }
0x16b: {  	[sflag:s6] =	ssyncset.done $0x0  }
0x16c: {  	s5 =	sadd.s32 $0xFFFFFFFF, s5;
	[sflag:s6] =	ssyncadd.s32 $0xFFFF0000  }
0x16d: {  	_ =	sfence.sel $0x180000  }
0x16e: {  	[bflag:$0x0] =	sbarrier.arrive $0xFFFF  }
0x16f: {  	_ =	strace $0x90000047  }
0x170: {  	s0 =	stileid.u32;
	[bflag:$0x2] =	sbarrier.arrive $0xFFFF  }
0x171: {  	p0 =	sne.s32 s0, $0x0;
	s0 =	rddreg [dreg:$0x3]  }
0x172: {  	s0 =	sadd.s32 @!p0 $0x100000, s0  }
0x173: {  	[sflag:s0] =	ssyncadd.tile.s32 @!p0 $0x1;
	_ =	shalt  }
.Lfunc_end2:
_tile_overlayer_lowered:
.L_overlay_start_2:
0x174: {  	(tag) =	ssettag $0x2  }
0x175: {  	s0 =	rddreg [dreg:$0x0];
	s2 =	stileid.u32  }
0x176: {  	s1 =	rddreg [dreg:$0x1];
	p0 =	sne.s32 s2, $0x0  }
0x177: {  	s3 =	rddreg [dreg:$0x2];
	[bflag:$0x3] =	sbarrier.arrive $0xFFFF;
	s2 =	simm.s32 @!p0 $0x1C02  }
0x178: {  	[timem:s3], [sflag:s2] =	dma.local @!p0 [hbm:s0], s1  }
0x179: {  	s0 =	simm.s32 @!p0 $0x2  }
0x17a: {  	_ =	swait.ge @!p0 [sflag:s0], s1  }
0x17b: {  	s1 =	ssub.s32 @!p0 $0x0, s1;
	[sflag:s0] =	ssyncset.done @!p0 $0x0  }
0x17c: {  	[sflag:s0] =	ssyncadd.s32 @!p0 s1  }
0x17d: {  	[bflag:$0x3] =	sbarrier.arrive $0xFFFF  }
0x17e: {  	_ =	shalt  }

</sc_bundles>
